<compile_context>
chip_gen: v7x
topology: tpu7x:2x2x1
jax: 0.10.2.dev20260603
libtpu: 0.0.44.dev20260713+nightly
codegen_flags: <defaults>
</compile_context>

<pallas_src>
import jax
import jax.numpy as jnp
from jax import lax
from jax.experimental import pallas as pl
from jax.experimental.pallas import tpu as pltpu
from jax.experimental.pallas import tpu_sc as plsc

_P = 105
_D = 2
_M = _P * _D
_LANES = 16
_LVECS = 7
_MVECS = 14
_TAIL = _P - (_LVECS - 1) * _LANES
_NEG = -1e30

_mesh = plsc.VectorSubcoreMesh(
    core_axis_name="c", subcore_axis_name="s", num_cores=1, num_subcores=2
)


def _body(logits_hbm, mag_hbm, probs_hbm, sig_hbm, lv, mv):
    sid = lax.axis_index("s")

    @pl.when(sid == 0)
    def _softmax():
        pltpu.sync_copy(logits_hbm, lv.at[pl.ds(0, _P)])
        valid = lax.iota(jnp.int32, _LANES) < _TAIL
        tail = lv[pl.ds(_LANES * (_LVECS - 1), _LANES)]
        lv[pl.ds(_LANES * (_LVECS - 1), _LANES)] = jnp.where(valid, tail, _NEG)

        def _max_body(i, acc):
            return jnp.maximum(acc, lv[pl.ds(_LANES * i, _LANES)])

        vmax = lax.fori_loop(1, _LVECS, _max_body, lv[pl.ds(0, _LANES)])
        m = jnp.broadcast_to(jnp.max(vmax), (_LANES,))

        def _exp_body(i, acc):
            e = jnp.exp(lv[pl.ds(_LANES * i, _LANES)] - m)
            lv[pl.ds(_LANES * i, _LANES)] = e
            return acc + e

        vsum = lax.fori_loop(0, _LVECS, _exp_body, jnp.zeros(_LANES, jnp.float32))
        inv = 1.0 / jnp.broadcast_to(jnp.sum(vsum), (_LANES,))

        def _scale_body(i, _):
            lv[pl.ds(_LANES * i, _LANES)] = lv[pl.ds(_LANES * i, _LANES)] * inv
            return 0

        lax.fori_loop(0, _LVECS, _scale_body, 0)
        pltpu.sync_copy(lv.at[pl.ds(0, _P)], probs_hbm)

    @pl.when(sid == 1)
    def _sigmoid():
        pltpu.sync_copy(mag_hbm, mv.at[pl.ds(0, _M)])

        def _sig_body(i, _):
            x = mv[pl.ds(_LANES * i, _LANES)]
            mv[pl.ds(_LANES * i, _LANES)] = 1.0 / (1.0 + jnp.exp(-x))
            return 0

        lax.fori_loop(0, _MVECS, _sig_body, 0)
        pltpu.sync_copy(mv.at[pl.ds(0, _M)], sig_hbm)


_sc_call = pl.kernel(
    _body,
    out_type=(
        jax.ShapeDtypeStruct((_P,), jnp.float32),
        jax.ShapeDtypeStruct((_M,), jnp.float32),
    ),
    mesh=_mesh,
    scratch_types=(
        pltpu.VMEM((_LVECS * _LANES,), jnp.float32),
        pltpu.VMEM((_MVECS * _LANES,), jnp.float32),
    ),
    name="optaug_policy_sc",
    compiler_params=pltpu.CompilerParams(needs_layout_passes=False),
)


def kernel(x, logits, mag_params):
    del x
    probs, sig = _sc_call(logits, mag_params.reshape(_M))
    return probs, sig.reshape(_P, _D)

# --- scband reference (transcript-rebuilt; emitter-appended) ---
"""Pipeline reference for scband-opt-aug-4844723110265 (READ-ONLY COPY).

The authoritative reference and input builder live on the scoring server;
editing this copy changes nothing except your own understanding.
"""

import jax, jax.numpy as jnp
import numpy as np

# OptAug.forward(x) ignores x and returns self.policy_predictor().
# PolicyPredictor(len(sub_policies), sub_policy_dim, name) is modeled as a learned
# logits vector over sub-policies plus a learned magnitude matrix; its __call__
# returns (softmax(logits), sigmoid(mag_params)) -- the (prob_sub_policy,
# mag_sub_policy) pair consumed by sample()/optimize().
# get_sub_policies(2) with the standard 15 augmentation ops yields C(15,2)=105
# sub-policies, so P=105.

NUM_SUB_POLICIES = 105  # C(15, 2)
SUB_POLICY_DIM = 2


def setup_inputs(seed: int = 0) -> dict:
    key = jax.random.key(seed)
    k1, k2, k3 = jax.random.split(key, 3)
    x = jax.random.normal(k1, (256, 3, 224, 224), dtype=jnp.float32)
    logits = jax.random.normal(k2, (NUM_SUB_POLICIES,), dtype=jnp.float32)
    mag_params = jax.random.normal(k3, (NUM_SUB_POLICIES, SUB_POLICY_DIM), dtype=jnp.float32)
    return {"x": x, "logits": logits, "mag_params": mag_params}


def reference(x, logits, mag_params):
    # PolicyPredictor.__call__: probability distribution over sub-policies
    # (softmax, matching nn.Softmax(dim=-1) usage downstream) and per-sub-policy
    # magnitudes squashed to [0, 1].
    prob_sub_policy = jax.nn.softmax(logits, axis=-1)
    mag_sub_policy = jax.nn.sigmoid(mag_params)
    return (prob_sub_policy, mag_sub_policy)

if __name__ == "__main__":
    import jax
    _d = setup_inputs()
    print(jax.jit(kernel)(*tuple(_d.values())))

</pallas_src>

<mosaic_0001>
#map = affine_map<(d0, d1) -> (0)>
module attributes {stable_mosaic.version = 14 : i64} {
  func.func @optaug_policy_sc(%arg0: i32, %arg1: i32, %arg2: memref<105xf32, #tpu.memory_space<hbm>>, %arg3: memref<210xf32, #tpu.memory_space<hbm>>, %arg4: memref<105xf32, #tpu.memory_space<hbm>>, %arg5: memref<210xf32, #tpu.memory_space<hbm>>, %arg6: memref<112xf32, #tpu.memory_space<vmem>>, %arg7: memref<224xf32, #tpu.memory_space<vmem>>) attributes {dimension_semantics = [#tpu.dimension_semantics<core_parallel>, #tpu.dimension_semantics<subcore_parallel>], iteration_bounds = array<i64: 1, 2>, scalar_prefetch = 0 : i64, scratch_operands = 2 : i64, tpu.core_type = #tpu.core_type<sc_vector_subcore>, window_params = [{transform_indices = #map}, {transform_indices = #map}, {transform_indices = #map}, {transform_indices = #map}]} {
    %eq3A = arith.constant 0 : i32
    %eq3A_0 = arith.cmpi eq, %arg1, %eq3A : i32
    %convert_element_type3A = arith.extui %eq3A_0 : i1 to i32
    %cond3A = arith.constant 0 : i32
    %cond3A_1 = arith.cmpi ne, %convert_element_type3A, %cond3A : i32
    scf.if %cond3A_1 {
      "tpu.region"() ({
        %run_scoped3A = tpu.sem_alloc : memref<!tpu.dma_semaphore, #tpu.memory_space<semaphore_mem>>
        %dma_start3A = arith.constant 0 : i32
        %dma_start3A_43 = tpu.memref_slice %arg6[%dma_start3A] : memref<112xf32, #tpu.memory_space<vmem>> -> memref<105xf32, #tpu.memory_space<vmem>>
        %dma_start3A_44 = arith.constant 0 : i32
        %dma_start3A_45 = tpu.memref_slice %arg6[%dma_start3A_44] : memref<112xf32, #tpu.memory_space<vmem>> -> memref<105xf32, #tpu.memory_space<vmem>>
        tpu.enqueue_dma source(%arg2 : memref<105xf32, #tpu.memory_space<hbm>>) target(%dma_start3A_45 : memref<105xf32, #tpu.memory_space<vmem>>) target_semaphore(%run_scoped3A : memref<!tpu.dma_semaphore, #tpu.memory_space<semaphore_mem>>)
        %dma_wait3A = arith.constant 0 : i32
        %dma_wait3A_46 = tpu.memref_slice %arg6[%dma_wait3A] : memref<112xf32, #tpu.memory_space<vmem>> -> memref<105xf32, #tpu.memory_space<vmem>>
        %dma_wait3A_47 = arith.constant 0 : i32
        %dma_wait3A_48 = tpu.memref_slice %arg6[%dma_wait3A_47] : memref<112xf32, #tpu.memory_space<vmem>> -> memref<105xf32, #tpu.memory_space<vmem>>
        tpu.wait_dma2 semaphore(%run_scoped3A : memref<!tpu.dma_semaphore, #tpu.memory_space<semaphore_mem>>) src(%arg2 : memref<105xf32, #tpu.memory_space<hbm>>) dst(%dma_wait3A_48 : memref<105xf32, #tpu.memory_space<vmem>>)
        tpu.yield
      }) : () -> ()
      %iota3A = tpu.iota {dimensions = array<i32: 0>} : vector<16xi32>
      %lt3A = arith.constant 9 : i32
      %lt3A_7 = vector.broadcast %lt3A : i32 to vector<16xi32>
      %lt3A_8 = arith.cmpi slt, %iota3A, %lt3A_7 : vector<16xi32>
      %get3A = arith.constant 96 : index
      %get3A_9 = tpu.vector_load %arg6[%get3A] {strides = array<i32>} : memref<112xf32, #tpu.memory_space<vmem>>, vector<16xf32>,
      %jit3A = arith.constant -1.000000e+30 : f32
      %broadcast_in_dim3A = vector.broadcast %jit3A : f32 to vector<16xf32>
      %select_n3A = arith.select %lt3A_8, %get3A_9, %broadcast_in_dim3A : vector<16xi1>, vector<16xf32>
      %swap3A = arith.constant 96 : index
      %swap3A_10 = tpu.vector_load %arg6[%swap3A] {strides = array<i32>} : memref<112xf32, #tpu.memory_space<vmem>>, vector<16xf32>,
      tpu.vector_store %arg6[%swap3A], %select_n3A {strides = array<i32>} : memref<112xf32, #tpu.memory_space<vmem>>, vector<16xf32>,
      %get3A_11 = arith.constant 0 : index
      %get3A_12 = tpu.vector_load %arg6[%get3A_11] {strides = array<i32>} : memref<112xf32, #tpu.memory_space<vmem>>, vector<16xf32>,
      %scan3A = arith.constant 1 : i32
      %scan3A_13 = arith.constant 6 : i32
      %scan3A_14 = arith.addi %scan3A, %scan3A_13 : i32
      %scan3A_15 = arith.constant 1 : i32
      %scan3A_16 = scf.for %scan3A_43 = %scan3A to %scan3A_14 step %scan3A_15 iter_args(%scan3A_44 = %get3A_12) -> (vector<16xf32>)  : i32 {
        %mul3A = arith.constant 16 : i32
        %mul3A_45 = arith.muli %mul3A, %scan3A_43 : i32
        %get3A_46 = arith.index_cast %mul3A_45 : i32 to index
        %get3A_47 = tpu.vector_load %arg6[%get3A_46] {strides = array<i32>} : memref<112xf32, #tpu.memory_space<vmem>>, vector<16xf32>,
        %max3A = arith.maximumf %scan3A_44, %get3A_47 : vector<16xf32>
        scf.yield %max3A : vector<16xf32>
      }
      %scan3A_17 = arith.constant 6 : i32
      %reduce_max3A = arith.constant true
      %reduce_max3A_18 = vector.broadcast %reduce_max3A : i1 to vector<16xi1>
      %reduce_max3A_19 = tpu.scan <max>, %scan3A_16 masked %reduce_max3A_18 : vector<16xf32>, vector<16xi1> -> vector<16xf32>
      %reduce_max3A_20 = vector.extract %reduce_max3A_19[15] : f32 from vector<16xf32>
      %broadcast_in_dim3A_21 = vector.broadcast %reduce_max3A_20 : f32 to vector<16xf32>
      %broadcast_in_dim3A_22 = arith.constant 0.000000e+00 : f32
      %broadcast_in_dim3A_23 = vector.broadcast %broadcast_in_dim3A_22 : f32 to vector<16xf32>
      %scan3A_24 = arith.constant 0 : i32
      %scan3A_25 = arith.constant 7 : i32
      %scan3A_26 = arith.addi %scan3A_24, %scan3A_25 : i32
      %scan3A_27 = arith.constant 1 : i32
      %scan3A_28 = scf.for %scan3A_43 = %scan3A_24 to %scan3A_26 step %scan3A_27 iter_args(%scan3A_44 = %broadcast_in_dim3A_23) -> (vector<16xf32>)  : i32 {
        %mul3A = arith.constant 16 : i32
        %mul3A_45 = arith.muli %mul3A, %scan3A_43 : i32
        %get3A_46 = arith.index_cast %mul3A_45 : i32 to index
        %get3A_47 = tpu.vector_load %arg6[%get3A_46] {strides = array<i32>} : memref<112xf32, #tpu.memory_space<vmem>>, vector<16xf32>,
        %sub3A = arith.subf %get3A_47, %broadcast_in_dim3A_21 : vector<16xf32>
        %exp3A = math.exp %sub3A : vector<16xf32>
        %mul3A_48 = arith.constant 16 : i32
        %mul3A_49 = arith.muli %mul3A_48, %scan3A_43 : i32
        %swap3A_50 = arith.index_cast %mul3A_49 : i32 to index
        %swap3A_51 = tpu.vector_load %arg6[%swap3A_50] {strides = array<i32>} : memref<112xf32, #tpu.memory_space<vmem>>, vector<16xf32>,
        tpu.vector_store %arg6[%swap3A_50], %exp3A {strides = array<i32>} : memref<112xf32, #tpu.memory_space<vmem>>, vector<16xf32>,
        %add3A = arith.addf %scan3A_44, %exp3A : vector<16xf32>
        scf.yield %add3A : vector<16xf32>
      }
      %scan3A_29 = arith.constant 7 : i32
      %reduce_sum3A = arith.constant true
      %reduce_sum3A_30 = vector.broadcast %reduce_sum3A : i1 to vector<16xi1>
      %reduce_sum3A_31 = tpu.scan <sum>, %scan3A_28 masked %reduce_sum3A_30 : vector<16xf32>, vector<16xi1> -> vector<16xf32>
      %reduce_sum3A_32 = vector.extract %reduce_sum3A_31[15] : f32 from vector<16xf32>
      %broadcast_in_dim3A_33 = vector.broadcast %reduce_sum3A_32 : f32 to vector<16xf32>
      %div3A = arith.constant 1.000000e+00 : f32
      %div3A_34 = vector.broadcast %div3A : f32 to vector<16xf32>
      %div3A_35 = arith.divf %div3A_34, %broadcast_in_dim3A_33 : vector<16xf32>
      %scan3A_36 = arith.constant 0 : i32
      %scan3A_37 = arith.constant 0 : i32
      %scan3A_38 = arith.constant 7 : i32
      %scan3A_39 = arith.addi %scan3A_37, %scan3A_38 : i32
      %scan3A_40 = arith.constant 1 : i32
      %scan3A_41 = scf.for %scan3A_43 = %scan3A_37 to %scan3A_39 step %scan3A_40 iter_args(%scan3A_44 = %scan3A_36) -> (i32)  : i32 {
        %mul3A = arith.constant 16 : i32
        %mul3A_45 = arith.muli %mul3A, %scan3A_43 : i32
        %get3A_46 = arith.index_cast %mul3A_45 : i32 to index
        %get3A_47 = tpu.vector_load %arg6[%get3A_46] {strides = array<i32>} : memref<112xf32, #tpu.memory_space<vmem>>, vector<16xf32>,
        %mul3A_48 = arith.mulf %get3A_47, %div3A_35 : vector<16xf32>
        %mul3A_49 = arith.constant 16 : i32
        %mul3A_50 = arith.muli %mul3A_49, %scan3A_43 : i32
        %swap3A_51 = arith.index_cast %mul3A_50 : i32 to index
        %swap3A_52 = tpu.vector_load %arg6[%swap3A_51] {strides = array<i32>} : memref<112xf32, #tpu.memory_space<vmem>>, vector<16xf32>,
        tpu.vector_store %arg6[%swap3A_51], %mul3A_48 {strides = array<i32>} : memref<112xf32, #tpu.memory_space<vmem>>, vector<16xf32>,
        %scan3A_53 = arith.constant 0 : i32
        scf.yield %scan3A_53 : i32
      }
      %scan3A_42 = arith.constant 7 : i32
      "tpu.region"() ({
        %run_scoped3A = tpu.sem_alloc : memref<!tpu.dma_semaphore, #tpu.memory_space<semaphore_mem>>
        %dma_start3A = arith.constant 0 : i32
        %dma_start3A_43 = tpu.memref_slice %arg6[%dma_start3A] : memref<112xf32, #tpu.memory_space<vmem>> -> memref<105xf32, #tpu.memory_space<vmem>>
        %dma_start3A_44 = arith.constant 0 : i32
        %dma_start3A_45 = tpu.memref_slice %arg6[%dma_start3A_44] : memref<112xf32, #tpu.memory_space<vmem>> -> memref<105xf32, #tpu.memory_space<vmem>>
        tpu.enqueue_dma source(%dma_start3A_45 : memref<105xf32, #tpu.memory_space<vmem>>) target(%arg4 : memref<105xf32, #tpu.memory_space<hbm>>) target_semaphore(%run_scoped3A : memref<!tpu.dma_semaphore, #tpu.memory_space<semaphore_mem>>)
        %dma_wait3A = arith.constant 0 : i32
        %dma_wait3A_46 = tpu.memref_slice %arg6[%dma_wait3A] : memref<112xf32, #tpu.memory_space<vmem>> -> memref<105xf32, #tpu.memory_space<vmem>>
        %dma_wait3A_47 = arith.constant 0 : i32
        %dma_wait3A_48 = tpu.memref_slice %arg6[%dma_wait3A_47] : memref<112xf32, #tpu.memory_space<vmem>> -> memref<105xf32, #tpu.memory_space<vmem>>
        tpu.wait_dma2 semaphore(%run_scoped3A : memref<!tpu.dma_semaphore, #tpu.memory_space<semaphore_mem>>) src(%dma_wait3A_48 : memref<105xf32, #tpu.memory_space<vmem>>) dst(%arg4 : memref<105xf32, #tpu.memory_space<hbm>>)
        tpu.yield
      }) : () -> ()
    } else {
    }
    %eq3A_2 = arith.constant 1 : i32
    %eq3A_3 = arith.cmpi eq, %arg1, %eq3A_2 : i32
    %convert_element_type3A_4 = arith.extui %eq3A_3 : i1 to i32
    %cond3A_5 = arith.constant 0 : i32
    %cond3A_6 = arith.cmpi ne, %convert_element_type3A_4, %cond3A_5 : i32
    scf.if %cond3A_6 {
      "tpu.region"() ({
        %run_scoped3A = tpu.sem_alloc : memref<!tpu.dma_semaphore, #tpu.memory_space<semaphore_mem>>
        %dma_start3A = arith.constant 0 : i32
        %dma_start3A_13 = tpu.memref_slice %arg7[%dma_start3A] : memref<224xf32, #tpu.memory_space<vmem>> -> memref<210xf32, #tpu.memory_space<vmem>>
        %dma_start3A_14 = arith.constant 0 : i32
        %dma_start3A_15 = tpu.memref_slice %arg7[%dma_start3A_14] : memref<224xf32, #tpu.memory_space<vmem>> -> memref<210xf32, #tpu.memory_space<vmem>>
        tpu.enqueue_dma source(%arg3 : memref<210xf32, #tpu.memory_space<hbm>>) target(%dma_start3A_15 : memref<210xf32, #tpu.memory_space<vmem>>) target_semaphore(%run_scoped3A : memref<!tpu.dma_semaphore, #tpu.memory_space<semaphore_mem>>)
        %dma_wait3A = arith.constant 0 : i32
        %dma_wait3A_16 = tpu.memref_slice %arg7[%dma_wait3A] : memref<224xf32, #tpu.memory_space<vmem>> -> memref<210xf32, #tpu.memory_space<vmem>>
        %dma_wait3A_17 = arith.constant 0 : i32
        %dma_wait3A_18 = tpu.memref_slice %arg7[%dma_wait3A_17] : memref<224xf32, #tpu.memory_space<vmem>> -> memref<210xf32, #tpu.memory_space<vmem>>
        tpu.wait_dma2 semaphore(%run_scoped3A : memref<!tpu.dma_semaphore, #tpu.memory_space<semaphore_mem>>) src(%arg3 : memref<210xf32, #tpu.memory_space<hbm>>) dst(%dma_wait3A_18 : memref<210xf32, #tpu.memory_space<vmem>>)
        tpu.yield
      }) : () -> ()
      %scan3A = arith.constant 0 : i32
      %scan3A_7 = arith.constant 0 : i32
      %scan3A_8 = arith.constant 14 : i32
      %scan3A_9 = arith.addi %scan3A_7, %scan3A_8 : i32
      %scan3A_10 = arith.constant 1 : i32
      %scan3A_11 = scf.for %scan3A_13 = %scan3A_7 to %scan3A_9 step %scan3A_10 iter_args(%scan3A_14 = %scan3A) -> (i32)  : i32 {
        %mul3A = arith.constant 16 : i32
        %mul3A_15 = arith.muli %mul3A, %scan3A_13 : i32
        %get3A = arith.index_cast %mul3A_15 : i32 to index
        %get3A_16 = tpu.vector_load %arg7[%get3A] {strides = array<i32>} : memref<224xf32, #tpu.memory_space<vmem>>, vector<16xf32>,
        %neg3A = arith.constant 0.000000e+00 : f32
        %neg3A_17 = vector.broadcast %neg3A : f32 to vector<16xf32>
        %neg3A_18 = arith.subf %neg3A_17, %get3A_16 : vector<16xf32>
        %exp3A = math.exp %neg3A_18 : vector<16xf32>
        %add3A = arith.constant 1.000000e+00 : f32
        %add3A_19 = vector.broadcast %add3A : f32 to vector<16xf32>
        %add3A_20 = arith.addf %add3A_19, %exp3A : vector<16xf32>
        %div3A = arith.constant 1.000000e+00 : f32
        %div3A_21 = vector.broadcast %div3A : f32 to vector<16xf32>
        %div3A_22 = arith.divf %div3A_21, %add3A_20 : vector<16xf32>
        %mul3A_23 = arith.constant 16 : i32
        %mul3A_24 = arith.muli %mul3A_23, %scan3A_13 : i32
        %swap3A = arith.index_cast %mul3A_24 : i32 to index
        %swap3A_25 = tpu.vector_load %arg7[%swap3A] {strides = array<i32>} : memref<224xf32, #tpu.memory_space<vmem>>, vector<16xf32>,
        tpu.vector_store %arg7[%swap3A], %div3A_22 {strides = array<i32>} : memref<224xf32, #tpu.memory_space<vmem>>, vector<16xf32>,
        %scan3A_26 = arith.constant 0 : i32
        scf.yield %scan3A_26 : i32
      }
      %scan3A_12 = arith.constant 14 : i32
      "tpu.region"() ({
        %run_scoped3A = tpu.sem_alloc : memref<!tpu.dma_semaphore, #tpu.memory_space<semaphore_mem>>
        %dma_start3A = arith.constant 0 : i32
        %dma_start3A_13 = tpu.memref_slice %arg7[%dma_start3A] : memref<224xf32, #tpu.memory_space<vmem>> -> memref<210xf32, #tpu.memory_space<vmem>>
        %dma_start3A_14 = arith.constant 0 : i32
        %dma_start3A_15 = tpu.memref_slice %arg7[%dma_start3A_14] : memref<224xf32, #tpu.memory_space<vmem>> -> memref<210xf32, #tpu.memory_space<vmem>>
        tpu.enqueue_dma source(%dma_start3A_15 : memref<210xf32, #tpu.memory_space<vmem>>) target(%arg5 : memref<210xf32, #tpu.memory_space<hbm>>) target_semaphore(%run_scoped3A : memref<!tpu.dma_semaphore, #tpu.memory_space<semaphore_mem>>)
        %dma_wait3A = arith.constant 0 : i32
        %dma_wait3A_16 = tpu.memref_slice %arg7[%dma_wait3A] : memref<224xf32, #tpu.memory_space<vmem>> -> memref<210xf32, #tpu.memory_space<vmem>>
        %dma_wait3A_17 = arith.constant 0 : i32
        %dma_wait3A_18 = tpu.memref_slice %arg7[%dma_wait3A_17] : memref<224xf32, #tpu.memory_space<vmem>> -> memref<210xf32, #tpu.memory_space<vmem>>
        tpu.wait_dma2 semaphore(%run_scoped3A : memref<!tpu.dma_semaphore, #tpu.memory_space<semaphore_mem>>) src(%dma_wait3A_18 : memref<210xf32, #tpu.memory_space<vmem>>) dst(%arg5 : memref<210xf32, #tpu.memory_space<hbm>>)
        tpu.yield
      }) : () -> ()
    } else {
    }
    return
  }
}

</mosaic_0001>

<sc_bundles>
// kernel: optaug_policy_sc.3.cloned.1.call-start
scs
__scs_entry_jumppad:
0x0: {  	(pc) =	sbr.rel $0x88, $3  }
0x1: {  	(tag) =	ssettag $0x0;
	lr =	simm.s32 $0x1  }
0x2: {  	[smem:$0x3F9F] =	sst lr;
	_ =	strace $0xD0000000  }
0x3: {  	_ = 	snop  }
0x4: {  	_ = 	snop  }
0x5: {  	_ = 	snop  }
0x6: {  	_ = 	snop  }
0x7: {  	_ = 	snop  }
__scs_overlays_trampoline_lowered:
0x8: {  	[smem:$0x3FAE] =	sst s0  }
0x9: {  	[smem:$0x3FAF] =	sst s1  }
0xa: {  	[smem:$0x3FB0] =	sst s2  }
0xb: {  	[smem:$0x3FB1] =	sst s3  }
0xc: {  	[smem:$0x3FB2] =	sst s4  }
0xd: {  	[smem:$0x3FB3] =	sst s5  }
0xe: {  	[smem:$0x3FB4] =	sst s6  }
0xf: {  	[smem:$0x3FB5] =	sst s7  }
0x10: {  	[smem:$0x3FB6] =	sst s8  }
0x11: {  	[smem:$0x3FB7] =	sst s9;
	s0 =	simm.s32 @!p0 $0x0  }
0x12: {  	s1 =	sld [smem:$0x3F9D];
	s0 =	simm.s32 @p0 $0x1  }
0x13: {  	[smem:$0x3FB8] =	sst s0;
	s0 =	simm.s32 @!p1 $0x0  }
0x14: {  	s2 =	sld [smem:$0x3F9C];
	s0 =	simm.s32 @p1 $0x1  }
0x15: {  	[smem:$0x3FB9] =	sst s0;
	s0 =	simm.s32 @!p2 $0x0  }
0x16: {  	s3 =	sld [smem:$0x3FDB];
	s0 =	simm.s32 @p2 $0x1  }
0x17: {  	s4 =	simm.s32 $0x1BF5;
	[smem:$0x3FBB] =	sst s0  }
0x18: {  	s0 =	sld [smem:$0x3F9E];
	_ =	swait.ge [sflag:s4], $0x0  }
0x19: {  	s7 =	sld [smem:$0x3F9F]  }
0x1a: {  	s8 =	sadd.s32 $0xFFFFE003, lr  }
0x1b: {  	s9 =	sadd.s32 $0xFFFFFEF7, lr;
	s5 =	simm.s32 $0xFFFFFFFF;
	p2 =	slt.u32 s8, $0xFFFFF086  }
0x1c: {  	p1 =	slt.u32 s9, $0xF7A;
	s5 =	simm.s32 @!p2 $0x0  }
0x1d: {  	s5 =	simm.s32 @p1 $0x1;
	p0 =	seq.s32 s7, s2  }
0x1e: {  	s7 =	smul.u32 @!p0 $0xF7A, s2;
	p2 =	seq.s32 @!p0 s5, $0x0  }
0x1f: {  	s9 =	smul.u32 $0xF7A, s1;
	s8 =	simm.s32 @!p0 $0x1BF5;
	p2 =	por !p2, p0  }
0x20: {  	[sflag:s8] =	ssyncset.s32 @!p0 $0xFFFFF086;
	s6 =	sadd.s32 @!p0 s3, s7;
	s7 =	simm.s32 @!p0 $0x108  }
0x21: {  	s3 =	sadd.s32 s3, s9;
	s6 =	sadd.s32 @!p0 $0x88, s6;
	s7 =	simm.s32 @p2 $0x1082  }
0x22: {  	[simem:s7], [sflag:s8] =	dma.local @!p0 [hbm:s6], $0xF7A  }
0x23: {  	s9 =	sor.u32 $0xD0000000, s2;
	s6 =	simm.s32 $0x108;
	_ =	swait.ge @!p0 [sflag:s8], $0x0  }
0x24: {  	s3 =	sadd.s32 $0x88, s3;
	s6 =	simm.s32 @!p1 $0x1082;
	[sflag:s4] =	ssyncset.s32 $0xFFFFF086  }
0x25: {  	[simem:s6], [sflag:s4] =	dma.local [hbm:s3], $0xF7A  }
0x26: {  	[smem:$0x3F9F] =	sst s1;
	(tag) =	ssettag s2;
	_ =	strace s9  }
0x27: {  	s1 =	sld [smem:$0x3FAF]  }
0x28: {  	s2 =	sld [smem:$0x3FB0]  }
0x29: {  	s4 =	sld [smem:$0x3FB2]  }
0x2a: {  	p0 =	seq.s32 s5, $0x0;
	s5 =	sld [smem:$0x3FB3]  }
0x2b: {  	s6 =	sld [smem:$0x3FB4]  }
0x2c: {  	s7 =	sld [smem:$0x3FB5]  }
0x2d: {  	s3 =	simm.s32 $0x108;
	s8 =	sld [smem:$0x3FB6]  }
0x2e: {  	s3 =	simm.s32 @!p0 $0x1082;
	s9 =	sld [smem:$0x3FB7]  }
0x2f: {  	lr =	sadd.s32 s0, s3;
	s0 =	sld [smem:$0x3FAE]  }
0x30: {  	s3 =	sld [smem:$0x3FB1]  }
0x31: {  	[smem:$0x3FBA] =	sst s10  }
0x32: {  	s10 =	sld [smem:$0x3FB8];
	_ =	sdelay $0x3  }
0x33: {  	p0 =	seq.s32 s10, $0x1;
	s10 =	sld [smem:$0x3FBA];
	_ =	sdelay $0x3  }
0x34: {  	[smem:$0x3FBA] =	sst s10  }
0x35: {  	s10 =	sld [smem:$0x3FB9];
	_ =	sdelay $0x3  }
0x36: {  	p1 =	seq.s32 s10, $0x1;
	s10 =	sld [smem:$0x3FBA];
	_ =	sdelay $0x3  }
0x37: {  	[smem:$0x3FBA] =	sst s10  }
0x38: {  	s10 =	sld [smem:$0x3FBB]  }
0x39: {  	_ = 	snop;
	(pc) =	sbr.ind lr, $3  }
0x3a: {  	_ = 	snop  }
0x3b: {  	_ = 	snop  }
0x3c: {  	p2 =	seq.s32 s10, $0x1;
	s10 =	sld [smem:$0x3FBA]  }
0x3d: {  	_ =	shalt  }
0x3e: {  	_ =	shalt  }
0x3f: {  	_ =	shalt  }
0x40: {  	_ =	shalt  }
0x41: {  	_ =	shalt  }
0x42: {  	_ =	shalt  }
0x43: {  	_ =	shalt  }
0x44: {  	_ =	shalt  }
0x45: {  	_ =	shalt  }
0x46: {  	_ =	shalt  }
0x47: {  	_ =	shalt  }
0x48: {  	_ =	shalt  }
0x49: {  	_ =	shalt  }
0x4a: {  	_ =	shalt  }
0x4b: {  	_ =	shalt  }
0x4c: {  	_ =	shalt  }
0x4d: {  	_ =	shalt  }
0x4e: {  	_ =	shalt  }
0x4f: {  	_ =	shalt  }
0x50: {  	_ =	shalt  }
0x51: {  	_ =	shalt  }
0x52: {  	_ =	shalt  }
0x53: {  	_ =	shalt  }
0x54: {  	_ =	shalt  }
0x55: {  	_ =	shalt  }
0x56: {  	_ =	shalt  }
0x57: {  	_ =	shalt  }
0x58: {  	_ =	shalt  }
0x59: {  	_ =	shalt  }
0x5a: {  	_ =	shalt  }
0x5b: {  	_ =	shalt  }
0x5c: {  	_ =	shalt  }
0x5d: {  	_ =	shalt  }
0x5e: {  	_ =	shalt  }
0x5f: {  	_ =	shalt  }
0x60: {  	_ =	shalt  }
0x61: {  	_ =	shalt  }
0x62: {  	_ =	shalt  }
0x63: {  	_ =	shalt  }
0x64: {  	_ =	shalt  }
0x65: {  	_ =	shalt  }
0x66: {  	_ =	shalt  }
0x67: {  	_ =	shalt  }
0x68: {  	_ =	shalt  }
0x69: {  	_ =	shalt  }
0x6a: {  	_ =	shalt  }
0x6b: {  	_ =	shalt  }
0x6c: {  	_ =	shalt  }
0x6d: {  	_ =	shalt  }
0x6e: {  	_ =	shalt  }
0x6f: {  	_ =	shalt  }
0x70: {  	_ =	shalt  }
0x71: {  	_ =	shalt  }
0x72: {  	_ =	shalt  }
0x73: {  	_ =	shalt  }
0x74: {  	_ =	shalt  }
0x75: {  	_ =	shalt  }
0x76: {  	_ =	shalt  }
0x77: {  	_ =	shalt  }
0x78: {  	_ =	shalt  }
0x79: {  	_ =	shalt  }
0x7a: {  	_ =	shalt  }
0x7b: {  	_ =	shalt  }
0x7c: {  	_ =	shalt  }
0x7d: {  	_ =	shalt  }
0x7e: {  	_ =	shalt  }
0x7f: {  	_ =	shalt  }
0x80: {  	_ =	shalt  }
0x81: {  	_ =	shalt  }
0x82: {  	_ =	shalt  }
0x83: {  	_ =	shalt  }
0x84: {  	_ =	shalt  }
0x85: {  	_ =	shalt  }
0x86: {  	_ =	shalt  }
0x87: {  	_ =	shalt  }
.Lfunc_end0:
.L_simem_size_0:
called_computation_lowered:
.L_overlay_start_0:
0x88: {  	s0 =	sld [smem:$0x3FD9]  }
0x89: {  	s1 =	sld [smem:$0x3FFE];
	_ =	sdelay $0x3  }
0x8a: {  	s0 =	sadd.s32 s1, s0  }
0x8b: {  	[smem:$0x3FC6] =	sst s0  }
0x8c: {  	_ = 	snop  }
0x8d: {  	s0 =	sld [smem:$0x3FD0];
	_ =	sdelay $0x2  }
0x8e: {  	s2 =	simm.s32 $0xA;
	s3 =	simm.s32 $0x10;
	s13 =	sld [smem:$0x3FC9]  }
0x8f: {  	[smem:s3], [sflag:s2] =	dma.local [hbm:s0], $0x1  }
0x90: {  	_ =	swait.eq [sflag:s2], $0x1  }
0x91: {  	[sflag:s2] =	ssyncset.done $0x0  }
0x92: {  	s14 =	sld [smem:$0x10];
	[sflag:s2] =	ssyncadd.s32 $0xFFFFFFFF  }
0x93: {  	s15 =	sld [smem:$0x11];
	(tm) =	ssettm $0x1  }
0x94: {  	s16 =	sld [smem:$0x3FFB];
	_ =	sdelay $0x3  }
0x95: {  	_ =	strace s16  }
0x96: {  	s3 =	sld [smem:$0x3FFC];
	_ =	sdelay $0x3  }
0x97: {  	_ =	strace s3  }
0x98: {  	s3 =	sld [smem:$0x3FFD];
	_ =	sdelay $0x3  }
0x99: {  	_ =	strace s3  }
0x9a: {  	_ =	strace $0x8FFFFFFF  }
0x9b: {  	s17 =	sld [smem:$0x3FDB];
	_ =	sdelay $0x1  }
0x9c: {  	s4 =	simm.s32 $_scs_section_size  }
0x9d: {  	s5 =	simm.s32 $_size__tile_overlayer_lowered;
	s6 =	simm.s32 $_tile_overlayer_lowered  }
0x9e: {  	s20 =	simm.s32 $0x1BFF;
	s19 =	sshll.u32 s6, $0x1;
	s3 =	sadd.s32 s4, s17  }
0x9f: {  	s7 =	simm.s32 $0x0;
	s18 =	sshll.u32 s5, $0x1;
	s5 =	sadd.s32 s19, s3  }
0xa0: {  	[timem:s7], [sflag:s20] =	dma.local [hbm:s5], s18  }
0xa1: {  	_ =	swait.ge [sflag:s20], s18  }
0xa2: {  	s4 =	ssub.s32 $0x0, s18;
	[sflag:s20] =	ssyncset.done $0x0  }
0xa3: {  	[sflag:s20] =	ssyncadd.s32 s4;
	_ =	sdelay $0x1  }
0xa4: {  	s21 =	simm.s32 $0x1B8B  }
0xa5: {  	_ =	swait.ge [sflag:s21], $0x1  }
0xa6: {  	[sflag:s21] =	ssyncset.done $0x0  }
0xa7: {  	s23 =	simm.s32 $0x1B8E;
	s22 =	sld [smem:$0x3FFE];
	[sflag:s21] =	ssyncadd.s32 $0xFFFFFFFF  }
0xa8: {  	s24 =	simm.s32 $execute0_lowered;
	[smem:$0x3FD2] =	sst s23  }
0xa9: {  	s5 =	sshll.u32 s24, $0x1;
	_ =	strace $0x80000046;
	[dreg:$0x1] =	wrdreg $0xFFFFFFFF  }
0xaa: {  	s25 =	simm.s32 $_size_execute0_lowered;
	s3 =	sadd.s32 s3, s5;
	[dreg:$0x0] =	wrdreg $0x0  }
0xab: {  	s5 =	sshll.u32 s25, $0x1;
	[dreg:$0x2] =	wrdreg s3  }
0xac: {  	[dreg:$0x3] =	wrdreg s5  }
0xad: {  	[dreg:$0x4] =	wrdreg $0xC0  }
0xae: {  	_ =	task [dreg:s7], $0x5FFFF  }
0xaf: {  	[dreg:$0x1] =	wrdreg $0xFFFFFFFF  }
0xb0: {  	[dreg:$0x0] =	wrdreg $0x60  }
0xb1: {  	[dreg:$0x2] =	wrdreg s13  }
0xb2: {  	[dreg:$0x3] =	wrdreg s15  }
0xb3: {  	[dreg:$0x4] =	wrdreg s14  }
0xb4: {  	[dreg:$0x5] =	wrdreg s22  }
0xb5: {  	[dreg:$0x6] =	wrdreg $0x9  }
0xb6: {  	_ =	task.clear_ibuf [dreg:s7], $0x7FFFF;
	_ =	strace $0x90000046  }
0xb7: {  	s26 =	simm.s32 $0x9;
	_ =	strace $0x80000048  }
0xb8: {  	_ =	swait.ge [sflag:s26], $0x1  }
0xb9: {  	[sflag:s26] =	ssyncadd.s32 $0xFFFFFFFF  }
0xba: {  	_ =	strace $0x90000048  }
0xbb: {  	_ =	sfence  }
0xbc: {  	s28 =	sld [smem:$0x0];
	_ =	sdelay $0x1  }
0xbd: {  	s29 =	srdreg.scid  }
0xbe: {  	s30 =	sshll.u32 s29, $0xD;
	s31 =	sshrl.u32 s29, $0x2  }
0xbf: {  	s1 =	sand.u32 $0x1, s29;
	s2 =	sand.u32 $0x4000, s30;
	s0 =	sadd.s32 s31, s28  }
0xc0: {  	s1 =	sor.u32 s2, s1;
	s0 =	sshll.u32 s0, $0x11  }
0xc1: {  	s0 =	sor.u32 s0, s1  }
0xc2: {  	s0 =	sadd.s32 $0x8F2B, s0  }
0xc3: {  	[sflag:s0] =	ssyncadd.remote.s32 $0x1  }
0xc4: {  	_ =	sfence.sel $0xFFFF  }
0xc5: {  	[dreg:$0x0] =	wrdreg $0xFFFFFFFF;
	(pc) =	sbr.abs _section_cstart, $3  }
0xc6: {  	[dreg:$0x1] =	wrdreg $0xFFFFFFFF  }
0xc7: {  	_ =	task.clear_ibuf [dreg:s7], $0x2FFFF;
	_ =	strace $0x9FFFFFFF  }
0xc8: {  	(tm) =	ssettm $0x7FFFFFFF  }
0xc9: {  	_ =	shalt  }
tec
execute0_lowered:
.L_overlay_start_1:
0x0: {  	(tag) =	ssettag $0x1  }
0x1: {  	s1 =	stileid.u32  }
0x2: {  	p0 =	sgt.u32 s1, $0x1  }
.Ltmp0:
0x3: {  	s5 =	rddreg [dreg:$0x0];
	(pc) =	sbr.rel @p0 .LBB2_4-.Ltmp0, $4  }
0x4: {  	s4 =	rddreg [dreg:$0x1]  }
0x5: {  	s3 =	rddreg [dreg:$0x2]  }
0x6: {  	s2 =	rddreg [dreg:$0x3]  }
0x7: {  	s0 =	rddreg [dreg:$0x4];
	_ =	strace $0x80000047  }
0x8: {  	s6 =	sand.u32 $0x1, s1  }
0x9: {  	p0 =	seq.s32 s6, $0x1  }
.Ltmp1:
0xa: {  	_ = 	snop;
	(pc) =	sbr.rel @!p0 .LBB2_2-.Ltmp1, $1  }
0xb: {  	_ =	sdelay $0x3  }
0xc: {  	s3 =	simm.s32 $0x0;
	s5 =	simm.s32 $0x80;
	s31 =	simm.s32 $0x1  }
0xd: {  	[tilespmem:s5], [sflag:$0x1] =	stream.linear.gather [hbm4b:s4+s3], $0xD2, $0x38;
	[tilespmem:$0x180] =	vst v63  }
0xe: {  	_ =	swait.ge [sflag:s31], $0xD2  }
0xf: {  	[sflag:s31] =	ssyncset.done $0x0  }
0x10: {  	[sflag:s31] =	ssyncadd.s32 $0xFFFFFF2E  }
0x11: {  	v0 =	vld [tilespmem:$0x80];
	_ =	sdelay $0x4  }
0x12: {  	v0 =	vsub.f32 $0.0e+00, v0;
	_ =	sdelay $0x1  }
0x13: {  	v0 =	vmul.f32 $1.442695020e+00, v0;
	_ =	sdelay $0x1  }
0x14: {  	(erf) = vpow2.f32 v0;
	_ =	sdelay $0x3  }
0x15: {  	v48 =	vld [tilespmem:$0x90];
	_ =	sdelay $0x4  }
0x16: {  	v0 =	vsub.f32 $0.0e+00, v48;
	v1 =	vpop (erf)  }
0x17: {  	v1 =	vadd.f32 $1.000000000e+00, v1  }
0x18: {  	v0 =	vmul.f32 $1.442695020e+00, v0  }
0x19: {  	(erf) = vrcp.f32 v1  }
0x1a: {  	(erf) = vpow2.f32 v0;
	_ =	sdelay $0x3  }
0x1b: {  	v49 =	vld [tilespmem:$0xA0];
	_ =	sdelay $0x3  }
0x1c: {  	v1 =	vpop (erf)  }
0x1d: {  	v0 =	vsub.f32 $0.0e+00, v49;
	v2 =	vpop (erf)  }
0x1e: {  	v2 =	vadd.f32 $1.000000000e+00, v2  }
0x1f: {  	v0 =	vmul.f32 $1.442695020e+00, v0  }
0x20: {  	(erf) = vrcp.f32 v2  }
0x21: {  	(erf) = vpow2.f32 v0;
	_ =	sdelay $0x3  }
0x22: {  	v50 =	vld [tilespmem:$0xB0];
	_ =	sdelay $0x3  }
0x23: {  	v2 =	vpop (erf)  }
0x24: {  	v0 =	vsub.f32 $0.0e+00, v50;
	v3 =	vpop (erf)  }
0x25: {  	v3 =	vadd.f32 $1.000000000e+00, v3  }
0x26: {  	v0 =	vmul.f32 $1.442695020e+00, v0  }
0x27: {  	(erf) = vrcp.f32 v3  }
0x28: {  	(erf) = vpow2.f32 v0;
	_ =	sdelay $0x3  }
0x29: {  	v51 =	vld [tilespmem:$0xC0];
	_ =	sdelay $0x3  }
0x2a: {  	v3 =	vpop (erf)  }
0x2b: {  	v0 =	vsub.f32 $0.0e+00, v51;
	v4 =	vpop (erf)  }
0x2c: {  	v4 =	vadd.f32 $1.000000000e+00, v4  }
0x2d: {  	v0 =	vmul.f32 $1.442695020e+00, v0  }
0x2e: {  	(erf) = vrcp.f32 v4  }
0x2f: {  	(erf) = vpow2.f32 v0;
	_ =	sdelay $0x3  }
0x30: {  	v52 =	vld [tilespmem:$0xD0];
	_ =	sdelay $0x3  }
0x31: {  	v4 =	vpop (erf)  }
0x32: {  	v0 =	vsub.f32 $0.0e+00, v52;
	v5 =	vpop (erf)  }
0x33: {  	v5 =	vadd.f32 $1.000000000e+00, v5  }
0x34: {  	v0 =	vmul.f32 $1.442695020e+00, v0  }
0x35: {  	(erf) = vrcp.f32 v5  }
0x36: {  	(erf) = vpow2.f32 v0;
	_ =	sdelay $0x3  }
0x37: {  	v53 =	vld [tilespmem:$0xE0];
	_ =	sdelay $0x3  }
0x38: {  	v5 =	vpop (erf)  }
0x39: {  	v0 =	vsub.f32 $0.0e+00, v53;
	v6 =	vpop (erf)  }
0x3a: {  	v6 =	vadd.f32 $1.000000000e+00, v6  }
0x3b: {  	v0 =	vmul.f32 $1.442695020e+00, v0  }
0x3c: {  	(erf) = vrcp.f32 v6  }
0x3d: {  	(erf) = vpow2.f32 v0;
	_ =	sdelay $0x3  }
0x3e: {  	v54 =	vld [tilespmem:$0xF0];
	_ =	sdelay $0x3  }
0x3f: {  	v6 =	vpop (erf)  }
0x40: {  	v0 =	vsub.f32 $0.0e+00, v54;
	v7 =	vpop (erf)  }
0x41: {  	v7 =	vadd.f32 $1.000000000e+00, v7  }
0x42: {  	v0 =	vmul.f32 $1.442695020e+00, v0  }
0x43: {  	(erf) = vrcp.f32 v7  }
0x44: {  	(erf) = vpow2.f32 v0;
	_ =	sdelay $0x3  }
0x45: {  	v55 =	vld [tilespmem:$0x100];
	_ =	sdelay $0x3  }
0x46: {  	v7 =	vpop (erf)  }
0x47: {  	v0 =	vsub.f32 $0.0e+00, v55;
	v8 =	vpop (erf)  }
0x48: {  	v8 =	vadd.f32 $1.000000000e+00, v8  }
0x49: {  	v0 =	vmul.f32 $1.442695020e+00, v0  }
0x4a: {  	(erf) = vrcp.f32 v8  }
0x4b: {  	(erf) = vpow2.f32 v0;
	_ =	sdelay $0x3  }
0x4c: {  	v56 =	vld [tilespmem:$0x110];
	_ =	sdelay $0x3  }
0x4d: {  	v8 =	vpop (erf)  }
0x4e: {  	v0 =	vsub.f32 $0.0e+00, v56;
	v9 =	vpop (erf)  }
0x4f: {  	v9 =	vadd.f32 $1.000000000e+00, v9  }
0x50: {  	v0 =	vmul.f32 $1.442695020e+00, v0  }
0x51: {  	(erf) = vrcp.f32 v9  }
0x52: {  	(erf) = vpow2.f32 v0;
	_ =	sdelay $0x3  }
0x53: {  	v57 =	vld [tilespmem:$0x120];
	_ =	sdelay $0x3  }
0x54: {  	v9 =	vpop (erf)  }
0x55: {  	v0 =	vsub.f32 $0.0e+00, v57;
	v10 =	vpop (erf)  }
0x56: {  	v10 =	vadd.f32 $1.000000000e+00, v10  }
0x57: {  	v0 =	vmul.f32 $1.442695020e+00, v0  }
0x58: {  	(erf) = vrcp.f32 v10  }
0x59: {  	(erf) = vpow2.f32 v0;
	_ =	sdelay $0x3  }
0x5a: {  	v58 =	vld [tilespmem:$0x130];
	_ =	sdelay $0x3  }
0x5b: {  	v10 =	vpop (erf)  }
0x5c: {  	v0 =	vsub.f32 $0.0e+00, v58;
	v11 =	vpop (erf)  }
0x5d: {  	v11 =	vadd.f32 $1.000000000e+00, v11  }
0x5e: {  	v0 =	vmul.f32 $1.442695020e+00, v0  }
0x5f: {  	(erf) = vrcp.f32 v11  }
0x60: {  	(erf) = vpow2.f32 v0;
	_ =	sdelay $0x3  }
0x61: {  	v59 =	vld [tilespmem:$0x140];
	_ =	sdelay $0x3  }
0x62: {  	v11 =	vpop (erf)  }
0x63: {  	v0 =	vsub.f32 $0.0e+00, v59;
	v12 =	vpop (erf)  }
0x64: {  	v12 =	vadd.f32 $1.000000000e+00, v12  }
0x65: {  	v0 =	vmul.f32 $1.442695020e+00, v0  }
0x66: {  	(erf) = vrcp.f32 v12  }
0x67: {  	(erf) = vpow2.f32 v0;
	_ =	sdelay $0x3  }
0x68: {  	v60 =	vld [tilespmem:$0x150];
	_ =	sdelay $0x3  }
0x69: {  	v12 =	vpop (erf)  }
0x6a: {  	v0 =	vsub.f32 $0.0e+00, v60;
	v13 =	vpop (erf)  }
0x6b: {  	v13 =	vadd.f32 $1.000000000e+00, v13  }
0x6c: {  	v0 =	vmul.f32 $1.442695020e+00, v0  }
0x6d: {  	(erf) = vrcp.f32 v13  }
0x6e: {  	(erf) = vpow2.f32 v0;
	_ =	sdelay $0x7  }
0x6f: {  	v61 =	vpop (erf)  }
0x70: {  	[tilespmem:$0x80] =	vst v1;
	v62 =	vpop (erf)  }
0x71: {  	[tilespmem:$0x90] =	vst v2;
	v1 =	vadd.f32 $1.000000000e+00, v62  }
0x72: {  	[tilespmem:$0xA0] =	vst v3  }
0x73: {  	[tilespmem:$0xB0] =	vst v4;
	(erf) = vrcp.f32 v1  }
0x74: {  	[tilespmem:$0xC0] =	vst v5  }
0x75: {  	[tilespmem:$0xD0] =	vst v6  }
0x76: {  	[tilespmem:$0xE0] =	vst v7  }
0x77: {  	[tilespmem:$0xF0] =	vst v8  }
0x78: {  	[tilespmem:$0x100] =	vst v9  }
0x79: {  	[tilespmem:$0x110] =	vst v10  }
0x7a: {  	[tilespmem:$0x120] =	vst v11  }
0x7b: {  	[tilespmem:$0x130] =	vst v12  }
0x7c: {  	[tilespmem:$0x140] =	vst v61;
	v63 =	vpop (erf)  }
.Ltmp2:
0x7d: {  	s2 =	sadd.s32 $0xC00, s2;
	[tilespmem:$0x150] =	vst v63;
	(pc) =	sbr.rel .LBB2_4-.Ltmp2, $4  }
0x7e: {  	[hbm4b:s2+s3] =	stream.linear.scatter [tilespmem:s5], [sflag:$0x1], $0xD2, $0x38;
	[tilespmem:$0x180] =	vst v63  }
0x7f: {  	_ =	swait.ge [sflag:s31], $0xD2  }
0x80: {  	[sflag:s31] =	ssyncset.done $0x0  }
0x81: {  	[sflag:s31] =	ssyncadd.s32 $0xFFFFFF2E  }
.LBB2_2:
0x82: {  	s4 =	simm.s32 $0x0;
	s2 =	simm.s32 $0x1  }
0x83: {  	[tilespmem:s4], [sflag:$0x1] =	stream.linear.gather [hbm4b:s5+s4], $0x69, $0x38;
	[tilespmem:$0x180] =	vst v63  }
0x84: {  	_ =	swait.ge [sflag:s2], $0x69  }
0x85: {  	[sflag:s2] =	ssyncset.done $0x0  }
0x86: {  	[sflag:s2] =	ssyncadd.s32 $0xFFFFFF97  }
0x87: {  	v0 =	vld [tilespmem:$0x60]  }
0x88: {  	v1 =	vld [tilespmem:$0x0]  }
0x89: {  	v2 =	vld [tilespmem:$0x10]  }
0x8a: {  	v3 =	vld [tilespmem:$0x20]  }
0x8b: {  	v4 =	vld [tilespmem:$0x30]  }
0x8c: {  	v5 =	vld [tilespmem:$0x40]  }
0x8d: {  	v6 =	vld [tilespmem:$0x50]  }
0x8e: {  	v7 =	vmax.f32 v1, v2  }
0x8f: {  	v7 =	vmax.f32 v7, v3  }
0x90: {  	v7 =	vmax.f32 v7, v4  }
0x91: {  	vm0 =	vmmov $0x1ff;
	v7 =	vmax.f32 v7, v5  }
0x92: {  	v0 =	vnsel vm0, $0xF149F2CA, v0;
	v7 =	vmax.f32 v7, v6  }
0x93: {  	v7 =	vmax.f32 v7, v0  }
0x94: {  	(xrf0) =	vmax.scan.msk.f32 $0xffff, v7;
	_ =	sdelay $0x5  }
0x95: {  	v7, _, _ =	vpop (xrf0)  }
0x96: {  	v7 =	vbroadcast v7, $0xF;
	_ =	sdelay $0x1  }
0x97: {  	v1 =	vsub.f32 v1, v7;
	_ =	sdelay $0x1  }
0x98: {  	v2 =	vsub.f32 v2, v7;
	v1 =	vmul.f32 $1.442695020e+00, v1;
	_ =	sdelay $0x1  }
0x99: {  	v44 =	vsub.f32 v3, v7;
	v43 =	vmul.f32 $1.442695020e+00, v2;
	(erf) = vpow2.f32 v1;
	_ =	sdelay $0x1  }
0x9a: {  	v46 =	vsub.f32 v4, v7;
	v45 =	vmul.f32 $1.442695020e+00, v44;
	(erf) = vpow2.f32 v43;
	_ =	sdelay $0x1  }
0x9b: {  	v48 =	vsub.f32 v5, v7;
	v47 =	vmul.f32 $1.442695020e+00, v46;
	(erf) = vpow2.f32 v45;
	_ =	sdelay $0x1  }
0x9c: {  	v50 =	vsub.f32 v6, v7;
	v49 =	vmul.f32 $1.442695020e+00, v48;
	(erf) = vpow2.f32 v47;
	_ =	sdelay $0x1  }
0x9d: {  	v0 =	vsub.f32 v0, v7;
	v51 =	vmul.f32 $1.442695020e+00, v50;
	(erf) = vpow2.f32 v49  }
0x9e: {  	v52 =	vpop (erf)  }
0x9f: {  	v0 =	vmul.f32 $1.442695020e+00, v0;
	(erf) = vpow2.f32 v51;
	v53 =	vadd.f32 $0.0e+00, v52  }
0xa0: {  	v54 =	vpop (erf)  }
0xa1: {  	(erf) = vpow2.f32 v0;
	v3 =	vadd.f32 v54, v53  }
0xa2: {  	v55 =	vpop (erf)  }
0xa3: {  	v3 =	vadd.f32 v55, v3  }
0xa4: {  	v56 =	vpop (erf)  }
0xa5: {  	v3 =	vadd.f32 v56, v3  }
0xa6: {  	v57 =	vpop (erf)  }
0xa7: {  	v3 =	vadd.f32 v57, v3  }
0xa8: {  	v58 =	vpop (erf)  }
0xa9: {  	v3 =	vadd.f32 v58, v3  }
0xaa: {  	v59 =	vpop (erf)  }
0xab: {  	v3 =	vadd.f32 v59, v3;
	_ =	sdelay $0x1  }
0xac: {  	(xrf2) =	vadd.scan.msk.f32 $0xffff, v3;
	_ =	sdelay $0x9  }
0xad: {  	v3, _, _ =	vpop (xrf2)  }
0xae: {  	v3 =	vbroadcast v3, $0xF;
	_ =	sdelay $0x1  }
0xaf: {  	(erf) = vrcp.f32 v3;
	_ =	sdelay $0x8  }
0xb0: {  	v3 =	vpop (erf)  }
0xb1: {  	v2 =	vmul.f32 v52, v3  }
0xb2: {  	v1 =	vmul.f32 v54, v3  }
0xb3: {  	v0 =	vmul.f32 v55, v3;
	[tilespmem:$0x0] =	vst v2  }
0xb4: {  	v60 =	vmul.f32 v56, v3;
	[tilespmem:$0x10] =	vst v1  }
0xb5: {  	v61 =	vmul.f32 v57, v3;
	[tilespmem:$0x20] =	vst v0  }
0xb6: {  	v62 =	vmul.f32 v58, v3;
	[tilespmem:$0x30] =	vst v60  }
0xb7: {  	v63 =	vmul.f32 v59, v3;
	[tilespmem:$0x40] =	vst v61  }
0xb8: {  	[tilespmem:$0x50] =	vst v62  }
0xb9: {  	[tilespmem:$0x60] =	vst v63  }
0xba: {  	[hbm4b:s3+s4] =	stream.linear.scatter [tilespmem:s4], [sflag:$0x1], $0x69, $0x38;
	[tilespmem:$0x180] =	vst v63  }
0xbb: {  	_ =	swait.ge [sflag:s2], $0x69  }
0xbc: {  	[sflag:s2] =	ssyncset.done $0x0  }
0xbd: {  	[sflag:s2] =	ssyncadd.s32 $0xFFFFFF97  }
.LBB2_4:
0xbe: {  	_ =	sfence.sel $0x180000  }
0xbf: {  	[bflag:$0x0] =	sbarrier.arrive $0xFFFF  }
0xc0: {  	p0 =	sne.s32 s1, $0x0;
	_ =	strace $0x90000047  }
0xc1: {  	s0 =	sadd.s32 @!p0 $0x100000, s0;
	[bflag:$0x2] =	sbarrier.arrive $0xFFFF  }
0xc2: {  	[sflag:s0] =	ssyncadd.tile.s32 @!p0 $0x1;
	_ =	shalt  }
.Lfunc_end2:
_tile_overlayer_lowered:
.L_overlay_start_2:
0xc3: {  	(tag) =	ssettag $0x2  }
0xc4: {  	s0 =	rddreg [dreg:$0x0];
	s2 =	stileid.u32  }
0xc5: {  	s1 =	rddreg [dreg:$0x1];
	p0 =	sne.s32 s2, $0x0  }
0xc6: {  	s3 =	rddreg [dreg:$0x2];
	[bflag:$0x3] =	sbarrier.arrive $0xFFFF;
	s2 =	simm.s32 @!p0 $0x1C01  }
0xc7: {  	[timem:s3], [sflag:s2] =	dma.local @!p0 [hbm:s0], s1  }
0xc8: {  	s0 =	simm.s32 @!p0 $0x1  }
0xc9: {  	_ =	swait.ge @!p0 [sflag:s0], s1  }
0xca: {  	s1 =	ssub.s32 @!p0 $0x0, s1;
	[sflag:s0] =	ssyncset.done @!p0 $0x0  }
0xcb: {  	[sflag:s0] =	ssyncadd.s32 @!p0 s1  }
0xcc: {  	[bflag:$0x3] =	sbarrier.arrive $0xFFFF  }
0xcd: {  	_ =	shalt  }

</sc_bundles>
